<compile_context>
chip_gen: v7x
topology: tpu7x:2x2x1
jax: 0.10.2.dev20260603
libtpu: 0.0.44.dev20260713+nightly
codegen_flags: <defaults>
</compile_context>

<pallas_src>
import jax
import jax.numpy as jnp
from jax import lax
from jax.experimental import pallas as pl
from jax.experimental.pallas import tpu as pltpu
from jax.experimental.pallas import tpu_sc as plsc

B = 1024
N = 20000
N_DN = 1300
N_MBON = 96
NC = 2
NS = 16
NW = NC * NS
BLK = 16
DN_BLKS = (N_DN + BLK - 1) // BLK
DN_TAIL = N_DN - (DN_BLKS - 1) * BLK
MB_BLKS = N_MBON // BLK
TOT_BLKS = DN_BLKS + MB_BLKS
IDX_PAD = TOT_BLKS * BLK
MAX_BLKS_PER_W = (TOT_BLKS + NW - 1) // NW
NBUF = 3


def _sc_body(vt_hbm, dn_idx_hbm, mbon_idx_hbm, dnt_hbm, mbt_hbm,
             cidx_v, g0, g1, g2, sg0, sg1, sg2, so0, so1, so2):
    wid = lax.axis_index("s") * NC + lax.axis_index("c")
    gb = (g0, g1, g2)
    sg = (sg0, sg1, sg2)
    so = (so0, so1, so2)

    c1 = pltpu.make_async_copy(dn_idx_hbm, cidx_v.at[pl.ds(0, N_DN)], sg0)
    c2 = pltpu.make_async_copy(mbon_idx_hbm,
                               cidx_v.at[pl.ds(DN_BLKS * BLK, N_MBON)], sg1)
    c1.start()
    c2.start()
    c1.wait()
    c2.wait()
    pad_at = (DN_BLKS - 1) * BLK
    chunk = cidx_v[pl.ds(pad_at, BLK)]
    cidx_v[pl.ds(pad_at, BLK)] = jnp.where(
        lax.iota(jnp.int32, BLK) < DN_TAIL, chunk, 0)

    def gather_copy(k, blk):
        return pltpu.make_async_copy(
            vt_hbm.at[cidx_v.at[pl.ds(blk * BLK, BLK)]],
            gb[k % NBUF], sg[k % NBUF])

    def full_dn_copy(k, blk):
        return pltpu.make_async_copy(
            gb[k % NBUF], dnt_hbm.at[pl.ds(blk * BLK, BLK)], so[k % NBUF])

    def part_dn_copy(k):
        return pltpu.make_async_copy(
            gb[k % NBUF].at[pl.ds(0, DN_TAIL)],
            dnt_hbm.at[pl.ds((DN_BLKS - 1) * BLK, DN_TAIL)], so[k % NBUF])

    def mb_copy(k, blk):
        return pltpu.make_async_copy(
            gb[k % NBUF], mbt_hbm.at[pl.ds((blk - DN_BLKS) * BLK, BLK)],
            so[k % NBUF])

    def issue_gather(k):
        blk = wid + NW * k

        @pl.when(blk < TOT_BLKS)
        def _():
            gather_copy(k, blk).start()

    def wait_gather(k):
        blk = wid + NW * k

        @pl.when(blk < TOT_BLKS)
        def _():
            gather_copy(k, blk).wait()

    def each_out(k, fn):
        blk = wid + NW * k

        @pl.when(blk < DN_BLKS - 1)
        def _():
            fn(full_dn_copy(k, blk))

        @pl.when(blk == DN_BLKS - 1)
        def _():
            fn(part_dn_copy(k))

        @pl.when((blk >= DN_BLKS) & (blk < TOT_BLKS))
        def _():
            fn(mb_copy(k, blk))

    for k in range(min(NBUF, MAX_BLKS_PER_W)):
        issue_gather(k)
    for k in range(MAX_BLKS_PER_W):
        if k >= NBUF:
            each_out(k - NBUF, lambda c: c.wait())
            issue_gather(k)
        wait_gather(k)
        each_out(k, lambda c: c.start())
    for k in range(max(0, MAX_BLKS_PER_W - NBUF), MAX_BLKS_PER_W):
        each_out(k, lambda c: c.wait())


@jax.jit
def kernel(v, dn_id, mbon_id):
    vt = jnp.swapaxes(v, 0, 1)

    mesh = plsc.VectorSubcoreMesh(core_axis_name="c", subcore_axis_name="s")
    run = pl.kernel(
        _sc_body,
        mesh=mesh,
        compiler_params=pltpu.CompilerParams(needs_layout_passes=False,
                                             use_tc_tiling_on_sc=True),
        out_type=(jax.ShapeDtypeStruct((N_DN, B), jnp.float32),
                  jax.ShapeDtypeStruct((N_MBON, B), jnp.float32)),
        scratch_types=(
            [pltpu.VMEM((IDX_PAD,), jnp.int32)]
            + [pltpu.VMEM((BLK, B), jnp.float32) for _ in range(NBUF)]
            + [pltpu.SemaphoreType.DMA for _ in range(2 * NBUF)]
        ),
    )
    dnt, mbt = run(vt, dn_id.astype(jnp.int32), mbon_id.astype(jnp.int32))
    return jnp.swapaxes(dnt, 0, 1), jnp.swapaxes(mbt, 0, 1)

# --- scband reference (transcript-rebuilt; emitter-appended) ---
"""Pipeline reference for scband-env-output-layer-58884001628371 (READ-ONLY COPY).

The authoritative reference and input builder live on the scoring server;
editing this copy changes nothing except your own understanding.
"""

import jax, jax.numpy as jnp
import numpy as np

B = 1024
N_NEURON = 20000
N_DN = 1300
N_MBON = 96


def setup_inputs(seed: int = 0) -> dict:
    key = jax.random.key(seed)
    k1, k2, k3 = jax.random.split(key, 3)
    # x['neuron.v'] : membrane voltages for the whole neuron population
    v = jax.random.normal(k1, (B, N_NEURON), dtype=jnp.float32)
    # simple ids of descending neurons (DN) and mushroom-body output neurons (MBON)
    dn_id = jax.random.randint(k2, (N_DN,), 0, N_NEURON, dtype=jnp.int64 if jax.config.jax_enable_x64 else jnp.int32)
    mbon_id = jax.random.randint(k3, (N_MBON,), 0, N_NEURON, dtype=jnp.int64 if jax.config.jax_enable_x64 else jnp.int32)
    return {"v": v, "dn_id": dn_id, "mbon_id": mbon_id}


def reference(v, dn_id, mbon_id):
    # EnvOutputLayer.forward: for each registered population, gather the
    # corresponding neuron columns from x['neuron.v'] and apply the embed
    # module (torch.nn.Identity here, i.e. a no-op).
    dn_out = jnp.take(v, dn_id, axis=-1)      # x['neuron.v'][..., dn_neuron_id]
    mbon_out = jnp.take(v, mbon_id, axis=-1)  # x['neuron.v'][..., mbon_neuron_id]
    # torch forward returns {'dn': dn_out, 'mbon': mbon_out}; return as tuple
    return (dn_out, mbon_out)

if __name__ == "__main__":
    import jax
    _d = setup_inputs()
    print(jax.jit(kernel)(*tuple(_d.values())))

</pallas_src>

<mosaic_0001>
#map = affine_map<(d0, d1) -> (0, 0)>
#map1 = affine_map<(d0, d1) -> (0)>
module attributes {stable_mosaic.version = 14 : i64} {
  func.func @_sc_body(%arg0: i32, %arg1: i32, %arg2: memref<20000x1024xf32, #tpu.memory_space<hbm>>, %arg3: memref<1300xi32, #tpu.memory_space<hbm>>, %arg4: memref<96xi32, #tpu.memory_space<hbm>>, %arg5: memref<1300x1024xf32, #tpu.memory_space<hbm>>, %arg6: memref<96x1024xf32, #tpu.memory_space<hbm>>, %arg7: memref<1408xi32, #tpu.memory_space<vmem>>, %arg8: memref<16x1024xf32, #tpu.memory_space<vmem>>, %arg9: memref<16x1024xf32, #tpu.memory_space<vmem>>, %arg10: memref<16x1024xf32, #tpu.memory_space<vmem>>, %arg11: memref<!tpu.dma_semaphore, #tpu.memory_space<semaphore_mem>>, %arg12: memref<!tpu.dma_semaphore, #tpu.memory_space<semaphore_mem>>, %arg13: memref<!tpu.dma_semaphore, #tpu.memory_space<semaphore_mem>>, %arg14: memref<!tpu.dma_semaphore, #tpu.memory_space<semaphore_mem>>, %arg15: memref<!tpu.dma_semaphore, #tpu.memory_space<semaphore_mem>>, %arg16: memref<!tpu.dma_semaphore, #tpu.memory_space<semaphore_mem>>) attributes {dimension_semantics = [#tpu.dimension_semantics<core_parallel>, #tpu.dimension_semantics<subcore_parallel>], iteration_bounds = array<i64: 2, 16>, scalar_prefetch = 0 : i64, scratch_operands = 10 : i64, tpu.core_type = #tpu.core_type<sc_vector_subcore>, window_params = [{transform_indices = #map}, {transform_indices = #map1}, {transform_indices = #map1}, {transform_indices = #map}, {transform_indices = #map}]} {
    %mul3A = arith.constant 2 : i32
    %mul3A_0 = arith.muli %arg1, %mul3A : i32
    %add3A = arith.addi %mul3A_0, %arg0 : i32
    %dma_start3A = arith.constant 0 : i32
    %dma_start3A_1 = tpu.memref_slice %arg7[%dma_start3A] : memref<1408xi32, #tpu.memory_space<vmem>> -> memref<1300xi32, #tpu.memory_space<vmem>>
    %dma_start3A_2 = arith.constant 0 : i32
    %dma_start3A_3 = tpu.memref_slice %arg7[%dma_start3A_2] : memref<1408xi32, #tpu.memory_space<vmem>> -> memref<1300xi32, #tpu.memory_space<vmem>>
    tpu.enqueue_dma source(%arg3 : memref<1300xi32, #tpu.memory_space<hbm>>) target(%dma_start3A_3 : memref<1300xi32, #tpu.memory_space<vmem>>) target_semaphore(%arg11 : memref<!tpu.dma_semaphore, #tpu.memory_space<semaphore_mem>>)
    %dma_start3A_4 = arith.constant 1312 : i32
    %dma_start3A_5 = tpu.memref_slice %arg7[%dma_start3A_4] : memref<1408xi32, #tpu.memory_space<vmem>> -> memref<96xi32, #tpu.memory_space<vmem>>
    %dma_start3A_6 = arith.constant 1312 : i32
    %dma_start3A_7 = tpu.memref_slice %arg7[%dma_start3A_6] : memref<1408xi32, #tpu.memory_space<vmem>> -> memref<96xi32, #tpu.memory_space<vmem>>
    tpu.enqueue_dma source(%arg4 : memref<96xi32, #tpu.memory_space<hbm>>) target(%dma_start3A_7 : memref<96xi32, #tpu.memory_space<vmem>>) target_semaphore(%arg12 : memref<!tpu.dma_semaphore, #tpu.memory_space<semaphore_mem>>)
    %dma_wait3A = arith.constant 0 : i32
    %dma_wait3A_8 = tpu.memref_slice %arg7[%dma_wait3A] : memref<1408xi32, #tpu.memory_space<vmem>> -> memref<1300xi32, #tpu.memory_space<vmem>>
    %dma_wait3A_9 = arith.constant 0 : i32
    %dma_wait3A_10 = tpu.memref_slice %arg7[%dma_wait3A_9] : memref<1408xi32, #tpu.memory_space<vmem>> -> memref<1300xi32, #tpu.memory_space<vmem>>
    tpu.wait_dma2 semaphore(%arg11 : memref<!tpu.dma_semaphore, #tpu.memory_space<semaphore_mem>>) src(%arg3 : memref<1300xi32, #tpu.memory_space<hbm>>) dst(%dma_wait3A_10 : memref<1300xi32, #tpu.memory_space<vmem>>)
    %dma_wait3A_11 = arith.constant 1312 : i32
    %dma_wait3A_12 = tpu.memref_slice %arg7[%dma_wait3A_11] : memref<1408xi32, #tpu.memory_space<vmem>> -> memref<96xi32, #tpu.memory_space<vmem>>
    %dma_wait3A_13 = arith.constant 1312 : i32
    %dma_wait3A_14 = tpu.memref_slice %arg7[%dma_wait3A_13] : memref<1408xi32, #tpu.memory_space<vmem>> -> memref<96xi32, #tpu.memory_space<vmem>>
    tpu.wait_dma2 semaphore(%arg12 : memref<!tpu.dma_semaphore, #tpu.memory_space<semaphore_mem>>) src(%arg4 : memref<96xi32, #tpu.memory_space<hbm>>) dst(%dma_wait3A_14 : memref<96xi32, #tpu.memory_space<vmem>>)
    %get3A = arith.constant 1296 : index
    %get3A_15 = tpu.vector_load %arg7[%get3A] {strides = array<i32>} : memref<1408xi32, #tpu.memory_space<vmem>>, vector<16xi32>,
    %iota3A = tpu.iota {dimensions = array<i32: 0>} : vector<16xi32>
    %lt3A = arith.constant 4 : i32
    %lt3A_16 = vector.broadcast %lt3A : i32 to vector<16xi32>
    %lt3A_17 = arith.cmpi slt, %iota3A, %lt3A_16 : vector<16xi32>
    %jit3A = arith.constant 0 : i32
    %broadcast_in_dim3A = vector.broadcast %jit3A : i32 to vector<16xi32>
    %select_n3A = arith.select %lt3A_17, %get3A_15, %broadcast_in_dim3A : vector<16xi1>, vector<16xi32>
    %swap3A = arith.constant 1296 : index
    %swap3A_18 = tpu.vector_load %arg7[%swap3A] {strides = array<i32>} : memref<1408xi32, #tpu.memory_space<vmem>>, vector<16xi32>,
    tpu.vector_store %arg7[%swap3A], %select_n3A {strides = array<i32>} : memref<1408xi32, #tpu.memory_space<vmem>>, vector<16xi32>,
    %add3A_19 = arith.constant 0 : i32
    %add3A_20 = arith.addi %add3A, %add3A_19 : i32
    %lt3A_21 = arith.constant 88 : i32
    %lt3A_22 = arith.cmpi slt, %add3A_20, %lt3A_21 : i32
    %convert_element_type3A = arith.extui %lt3A_22 : i1 to i32
    %cond3A = arith.constant 0 : i32
    %cond3A_23 = arith.cmpi ne, %convert_element_type3A, %cond3A : i32
    scf.if %cond3A_23 {
      %mul3A_176 = arith.constant 16 : i32
      %mul3A_177 = arith.muli %add3A_20, %mul3A_176 : i32
      %dma_start3A_178 = tpu.memref_slice %arg7[%mul3A_177] : memref<1408xi32, #tpu.memory_space<vmem>> -> memref<16xi32, #tpu.memory_space<vmem>>
      %dma_start3A_179 = arith.constant 0 : i32
      %dma_start3A_180 = arith.constant 0 : i32
      %dma_start3A_181 = tpu.memref_slice %arg2[%dma_start3A_179, %dma_start3A_180] : memref<20000x1024xf32, #tpu.memory_space<hbm>> -> memref<20000x1024xf32, #tpu.memory_space<hbm>>
      tpu.enqueue_indirect_dma source(%dma_start3A_181 : memref<20000x1024xf32, #tpu.memory_space<hbm>>) target(%arg8 : memref<16x1024xf32, #tpu.memory_space<vmem>>) offsets(%dma_start3A_178 : memref<16xi32, #tpu.memory_space<vmem>>) semaphore(%arg11 : memref<!tpu.dma_semaphore, #tpu.memory_space<semaphore_mem>>)
    } else {
    }
    %add3A_24 = arith.constant 32 : i32
    %add3A_25 = arith.addi %add3A, %add3A_24 : i32
    %lt3A_26 = arith.constant 88 : i32
    %lt3A_27 = arith.cmpi slt, %add3A_25, %lt3A_26 : i32
    %convert_element_type3A_28 = arith.extui %lt3A_27 : i1 to i32
    %cond3A_29 = arith.constant 0 : i32
    %cond3A_30 = arith.cmpi ne, %convert_element_type3A_28, %cond3A_29 : i32
    scf.if %cond3A_30 {
      %mul3A_176 = arith.constant 16 : i32
      %mul3A_177 = arith.muli %add3A_25, %mul3A_176 : i32
      %dma_start3A_178 = tpu.memref_slice %arg7[%mul3A_177] : memref<1408xi32, #tpu.memory_space<vmem>> -> memref<16xi32, #tpu.memory_space<vmem>>
      %dma_start3A_179 = arith.constant 0 : i32
      %dma_start3A_180 = arith.constant 0 : i32
      %dma_start3A_181 = tpu.memref_slice %arg2[%dma_start3A_179, %dma_start3A_180] : memref<20000x1024xf32, #tpu.memory_space<hbm>> -> memref<20000x1024xf32, #tpu.memory_space<hbm>>
      tpu.enqueue_indirect_dma source(%dma_start3A_181 : memref<20000x1024xf32, #tpu.memory_space<hbm>>) target(%arg9 : memref<16x1024xf32, #tpu.memory_space<vmem>>) offsets(%dma_start3A_178 : memref<16xi32, #tpu.memory_space<vmem>>) semaphore(%arg12 : memref<!tpu.dma_semaphore, #tpu.memory_space<semaphore_mem>>)
    } else {
    }
    %add3A_31 = arith.constant 64 : i32
    %add3A_32 = arith.addi %add3A, %add3A_31 : i32
    %lt3A_33 = arith.constant 88 : i32
    %lt3A_34 = arith.cmpi slt, %add3A_32, %lt3A_33 : i32
    %convert_element_type3A_35 = arith.extui %lt3A_34 : i1 to i32
    %cond3A_36 = arith.constant 0 : i32
    %cond3A_37 = arith.cmpi ne, %convert_element_type3A_35, %cond3A_36 : i32
    scf.if %cond3A_37 {
      %mul3A_176 = arith.constant 16 : i32
      %mul3A_177 = arith.muli %add3A_32, %mul3A_176 : i32
      %dma_start3A_178 = tpu.memref_slice %arg7[%mul3A_177] : memref<1408xi32, #tpu.memory_space<vmem>> -> memref<16xi32, #tpu.memory_space<vmem>>
      %dma_start3A_179 = arith.constant 0 : i32
      %dma_start3A_180 = arith.constant 0 : i32
      %dma_start3A_181 = tpu.memref_slice %arg2[%dma_start3A_179, %dma_start3A_180] : memref<20000x1024xf32, #tpu.memory_space<hbm>> -> memref<20000x1024xf32, #tpu.memory_space<hbm>>
      tpu.enqueue_indirect_dma source(%dma_start3A_181 : memref<20000x1024xf32, #tpu.memory_space<hbm>>) target(%arg10 : memref<16x1024xf32, #tpu.memory_space<vmem>>) offsets(%dma_start3A_178 : memref<16xi32, #tpu.memory_space<vmem>>) semaphore(%arg13 : memref<!tpu.dma_semaphore, #tpu.memory_space<semaphore_mem>>)
    } else {
    }
    %add3A_38 = arith.constant 0 : i32
    %add3A_39 = arith.addi %add3A, %add3A_38 : i32
    %lt3A_40 = arith.constant 88 : i32
    %lt3A_41 = arith.cmpi slt, %add3A_39, %lt3A_40 : i32
    %convert_element_type3A_42 = arith.extui %lt3A_41 : i1 to i32
    %cond3A_43 = arith.constant 0 : i32
    %cond3A_44 = arith.cmpi ne, %convert_element_type3A_42, %cond3A_43 : i32
    scf.if %cond3A_44 {
      %mul3A_176 = arith.constant 16 : i32
      %mul3A_177 = arith.muli %add3A_39, %mul3A_176 : i32
      %dma_wait3A_178 = tpu.memref_slice %arg7[%mul3A_177] : memref<1408xi32, #tpu.memory_space<vmem>> -> memref<16xi32, #tpu.memory_space<vmem>>
      %dma_wait3A_179 = arith.constant 0 : i32
      %dma_wait3A_180 = arith.constant 0 : i32
      %dma_wait3A_181 = tpu.memref_slice %arg2[%dma_wait3A_179, %dma_wait3A_180] : memref<20000x1024xf32, #tpu.memory_space<hbm>> -> memref<20000x1024xf32, #tpu.memory_space<hbm>>
      tpu.wait_indirect_dma semaphore(%arg11 : memref<!tpu.dma_semaphore, #tpu.memory_space<semaphore_mem>>) src(%dma_wait3A_181 : memref<20000x1024xf32, #tpu.memory_space<hbm>>) dst(%arg8 : memref<16x1024xf32, #tpu.memory_space<vmem>>)
    } else {
    }
    %add3A_45 = arith.constant 0 : i32
    %add3A_46 = arith.addi %add3A, %add3A_45 : i32
    %lt3A_47 = arith.constant 81 : i32
    %lt3A_48 = arith.cmpi slt, %add3A_46, %lt3A_47 : i32
    %convert_element_type3A_49 = arith.extui %lt3A_48 : i1 to i32
    %cond3A_50 = arith.constant 0 : i32
    %cond3A_51 = arith.cmpi ne, %convert_element_type3A_49, %cond3A_50 : i32
    scf.if %cond3A_51 {
      %mul3A_176 = arith.constant 16 : i32
      %mul3A_177 = arith.muli %add3A_46, %mul3A_176 : i32
      %dma_start3A_178 = arith.constant 0 : i32
      %dma_start3A_179 = tpu.memref_slice %arg5[%mul3A_177, %dma_start3A_178] : memref<1300x1024xf32, #tpu.memory_space<hbm>> -> memref<16x1024xf32, #tpu.memory_space<hbm>>
      %dma_start3A_180 = arith.constant 0 : i32
      %dma_start3A_181 = tpu.memref_slice %arg5[%mul3A_177, %dma_start3A_180] : memref<1300x1024xf32, #tpu.memory_space<hbm>> -> memref<16x1024xf32, #tpu.memory_space<hbm>>
      tpu.enqueue_dma source(%arg8 : memref<16x1024xf32, #tpu.memory_space<vmem>>) target(%dma_start3A_181 : memref<16x1024xf32, #tpu.memory_space<hbm>>) target_semaphore(%arg14 : memref<!tpu.dma_semaphore, #tpu.memory_space<semaphore_mem>>)
    } else {
    }
    %eq3A = arith.constant 81 : i32
    %eq3A_52 = arith.cmpi eq, %add3A_46, %eq3A : i32
    %convert_element_type3A_53 = arith.extui %eq3A_52 : i1 to i32
    %cond3A_54 = arith.constant 0 : i32
    %cond3A_55 = arith.cmpi ne, %convert_element_type3A_53, %cond3A_54 : i32
    scf.if %cond3A_55 {
      %dma_start3A_176 = arith.constant 0 : i32
      %dma_start3A_177 = arith.constant 0 : i32
      %dma_start3A_178 = tpu.memref_slice %arg8[%dma_start3A_176, %dma_start3A_177] : memref<16x1024xf32, #tpu.memory_space<vmem>> -> memref<4x1024xf32, #tpu.memory_space<vmem>>
      %dma_start3A_179 = arith.constant 1296 : i32
      %dma_start3A_180 = arith.constant 0 : i32
      %dma_start3A_181 = tpu.memref_slice %arg5[%dma_start3A_179, %dma_start3A_180] : memref<1300x1024xf32, #tpu.memory_space<hbm>> -> memref<4x1024xf32, #tpu.memory_space<hbm>>
      %dma_start3A_182 = arith.constant 1296 : i32
      %dma_start3A_183 = arith.constant 0 : i32
      %dma_start3A_184 = tpu.memref_slice %arg5[%dma_start3A_182, %dma_start3A_183] : memref<1300x1024xf32, #tpu.memory_space<hbm>> -> memref<4x1024xf32, #tpu.memory_space<hbm>>
      %dma_start3A_185 = arith.constant 0 : i32
      %dma_start3A_186 = arith.constant 0 : i32
      %dma_start3A_187 = tpu.memref_slice %arg8[%dma_start3A_185, %dma_start3A_186] : memref<16x1024xf32, #tpu.memory_space<vmem>> -> memref<4x1024xf32, #tpu.memory_space<vmem>>
      tpu.enqueue_dma source(%dma_start3A_187 : memref<4x1024xf32, #tpu.memory_space<vmem>>) target(%dma_start3A_184 : memref<4x1024xf32, #tpu.memory_space<hbm>>) target_semaphore(%arg14 : memref<!tpu.dma_semaphore, #tpu.memory_space<semaphore_mem>>)
    } else {
    }
    %ge3A = arith.constant 82 : i32
    %ge3A_56 = arith.cmpi sge, %add3A_46, %ge3A : i32
    %lt3A_57 = arith.constant 88 : i32
    %lt3A_58 = arith.cmpi slt, %add3A_46, %lt3A_57 : i32
    %and3A = arith.andi %ge3A_56, %lt3A_58 : i1
    %convert_element_type3A_59 = arith.extui %and3A : i1 to i32
    %cond3A_60 = arith.constant 0 : i32
    %cond3A_61 = arith.cmpi ne, %convert_element_type3A_59, %cond3A_60 : i32
    scf.if %cond3A_61 {
      %sub3A = arith.constant 82 : i32
      %sub3A_176 = arith.subi %add3A_46, %sub3A : i32
      %mul3A_177 = arith.constant 16 : i32
      %mul3A_178 = arith.muli %sub3A_176, %mul3A_177 : i32
      %dma_start3A_179 = arith.constant 0 : i32
      %dma_start3A_180 = tpu.memref_slice %arg6[%mul3A_178, %dma_start3A_179] : memref<96x1024xf32, #tpu.memory_space<hbm>> -> memref<16x1024xf32, #tpu.memory_space<hbm>>
      %dma_start3A_181 = arith.constant 0 : i32
      %dma_start3A_182 = tpu.memref_slice %arg6[%mul3A_178, %dma_start3A_181] : memref<96x1024xf32, #tpu.memory_space<hbm>> -> memref<16x1024xf32, #tpu.memory_space<hbm>>
      tpu.enqueue_dma source(%arg8 : memref<16x1024xf32, #tpu.memory_space<vmem>>) target(%dma_start3A_182 : memref<16x1024xf32, #tpu.memory_space<hbm>>) target_semaphore(%arg14 : memref<!tpu.dma_semaphore, #tpu.memory_space<semaphore_mem>>)
    } else {
    }
    %add3A_62 = arith.constant 32 : i32
    %add3A_63 = arith.addi %add3A, %add3A_62 : i32
    %lt3A_64 = arith.constant 88 : i32
    %lt3A_65 = arith.cmpi slt, %add3A_63, %lt3A_64 : i32
    %convert_element_type3A_66 = arith.extui %lt3A_65 : i1 to i32
    %cond3A_67 = arith.constant 0 : i32
    %cond3A_68 = arith.cmpi ne, %convert_element_type3A_66, %cond3A_67 : i32
    scf.if %cond3A_68 {
      %mul3A_176 = arith.constant 16 : i32
      %mul3A_177 = arith.muli %add3A_63, %mul3A_176 : i32
      %dma_wait3A_178 = tpu.memref_slice %arg7[%mul3A_177] : memref<1408xi32, #tpu.memory_space<vmem>> -> memref<16xi32, #tpu.memory_space<vmem>>
      %dma_wait3A_179 = arith.constant 0 : i32
      %dma_wait3A_180 = arith.constant 0 : i32
      %dma_wait3A_181 = tpu.memref_slice %arg2[%dma_wait3A_179, %dma_wait3A_180] : memref<20000x1024xf32, #tpu.memory_space<hbm>> -> memref<20000x1024xf32, #tpu.memory_space<hbm>>
      tpu.wait_indirect_dma semaphore(%arg12 : memref<!tpu.dma_semaphore, #tpu.memory_space<semaphore_mem>>) src(%dma_wait3A_181 : memref<20000x1024xf32, #tpu.memory_space<hbm>>) dst(%arg9 : memref<16x1024xf32, #tpu.memory_space<vmem>>)
    } else {
    }
    %add3A_69 = arith.constant 32 : i32
    %add3A_70 = arith.addi %add3A, %add3A_69 : i32
    %lt3A_71 = arith.constant 81 : i32
    %lt3A_72 = arith.cmpi slt, %add3A_70, %lt3A_71 : i32
    %convert_element_type3A_73 = arith.extui %lt3A_72 : i1 to i32
    %cond3A_74 = arith.constant 0 : i32
    %cond3A_75 = arith.cmpi ne, %convert_element_type3A_73, %cond3A_74 : i32
    scf.if %cond3A_75 {
      %mul3A_176 = arith.constant 16 : i32
      %mul3A_177 = arith.muli %add3A_70, %mul3A_176 : i32
      %dma_start3A_178 = arith.constant 0 : i32
      %dma_start3A_179 = tpu.memref_slice %arg5[%mul3A_177, %dma_start3A_178] : memref<1300x1024xf32, #tpu.memory_space<hbm>> -> memref<16x1024xf32, #tpu.memory_space<hbm>>
      %dma_start3A_180 = arith.constant 0 : i32
      %dma_start3A_181 = tpu.memref_slice %arg5[%mul3A_177, %dma_start3A_180] : memref<1300x1024xf32, #tpu.memory_space<hbm>> -> memref<16x1024xf32, #tpu.memory_space<hbm>>
      tpu.enqueue_dma source(%arg9 : memref<16x1024xf32, #tpu.memory_space<vmem>>) target(%dma_start3A_181 : memref<16x1024xf32, #tpu.memory_space<hbm>>) target_semaphore(%arg15 : memref<!tpu.dma_semaphore, #tpu.memory_space<semaphore_mem>>)
    } else {
    }
    %eq3A_76 = arith.constant 81 : i32
    %eq3A_77 = arith.cmpi eq, %add3A_70, %eq3A_76 : i32
    %convert_element_type3A_78 = arith.extui %eq3A_77 : i1 to i32
    %cond3A_79 = arith.constant 0 : i32
    %cond3A_80 = arith.cmpi ne, %convert_element_type3A_78, %cond3A_79 : i32
    scf.if %cond3A_80 {
      %dma_start3A_176 = arith.constant 0 : i32
      %dma_start3A_177 = arith.constant 0 : i32
      %dma_start3A_178 = tpu.memref_slice %arg9[%dma_start3A_176, %dma_start3A_177] : memref<16x1024xf32, #tpu.memory_space<vmem>> -> memref<4x1024xf32, #tpu.memory_space<vmem>>
      %dma_start3A_179 = arith.constant 1296 : i32
      %dma_start3A_180 = arith.constant 0 : i32
      %dma_start3A_181 = tpu.memref_slice %arg5[%dma_start3A_179, %dma_start3A_180] : memref<1300x1024xf32, #tpu.memory_space<hbm>> -> memref<4x1024xf32, #tpu.memory_space<hbm>>
      %dma_start3A_182 = arith.constant 1296 : i32
      %dma_start3A_183 = arith.constant 0 : i32
      %dma_start3A_184 = tpu.memref_slice %arg5[%dma_start3A_182, %dma_start3A_183] : memref<1300x1024xf32, #tpu.memory_space<hbm>> -> memref<4x1024xf32, #tpu.memory_space<hbm>>
      %dma_start3A_185 = arith.constant 0 : i32
      %dma_start3A_186 = arith.constant 0 : i32
      %dma_start3A_187 = tpu.memref_slice %arg9[%dma_start3A_185, %dma_start3A_186] : memref<16x1024xf32, #tpu.memory_space<vmem>> -> memref<4x1024xf32, #tpu.memory_space<vmem>>
      tpu.enqueue_dma source(%dma_start3A_187 : memref<4x1024xf32, #tpu.memory_space<vmem>>) target(%dma_start3A_184 : memref<4x1024xf32, #tpu.memory_space<hbm>>) target_semaphore(%arg15 : memref<!tpu.dma_semaphore, #tpu.memory_space<semaphore_mem>>)
    } else {
    }
    %ge3A_81 = arith.constant 82 : i32
    %ge3A_82 = arith.cmpi sge, %add3A_70, %ge3A_81 : i32
    %lt3A_83 = arith.constant 88 : i32
    %lt3A_84 = arith.cmpi slt, %add3A_70, %lt3A_83 : i32
    %and3A_85 = arith.andi %ge3A_82, %lt3A_84 : i1
    %convert_element_type3A_86 = arith.extui %and3A_85 : i1 to i32
    %cond3A_87 = arith.constant 0 : i32
    %cond3A_88 = arith.cmpi ne, %convert_element_type3A_86, %cond3A_87 : i32
    scf.if %cond3A_88 {
      %sub3A = arith.constant 82 : i32
      %sub3A_176 = arith.subi %add3A_70, %sub3A : i32
      %mul3A_177 = arith.constant 16 : i32
      %mul3A_178 = arith.muli %sub3A_176, %mul3A_177 : i32
      %dma_start3A_179 = arith.constant 0 : i32
      %dma_start3A_180 = tpu.memref_slice %arg6[%mul3A_178, %dma_start3A_179] : memref<96x1024xf32, #tpu.memory_space<hbm>> -> memref<16x1024xf32, #tpu.memory_space<hbm>>
      %dma_start3A_181 = arith.constant 0 : i32
      %dma_start3A_182 = tpu.memref_slice %arg6[%mul3A_178, %dma_start3A_181] : memref<96x1024xf32, #tpu.memory_space<hbm>> -> memref<16x1024xf32, #tpu.memory_space<hbm>>
      tpu.enqueue_dma source(%arg9 : memref<16x1024xf32, #tpu.memory_space<vmem>>) target(%dma_start3A_182 : memref<16x1024xf32, #tpu.memory_space<hbm>>) target_semaphore(%arg15 : memref<!tpu.dma_semaphore, #tpu.memory_space<semaphore_mem>>)
    } else {
    }
    %add3A_89 = arith.constant 64 : i32
    %add3A_90 = arith.addi %add3A, %add3A_89 : i32
    %lt3A_91 = arith.constant 88 : i32
    %lt3A_92 = arith.cmpi slt, %add3A_90, %lt3A_91 : i32
    %convert_element_type3A_93 = arith.extui %lt3A_92 : i1 to i32
    %cond3A_94 = arith.constant 0 : i32
    %cond3A_95 = arith.cmpi ne, %convert_element_type3A_93, %cond3A_94 : i32
    scf.if %cond3A_95 {
      %mul3A_176 = arith.constant 16 : i32
      %mul3A_177 = arith.muli %add3A_90, %mul3A_176 : i32
      %dma_wait3A_178 = tpu.memref_slice %arg7[%mul3A_177] : memref<1408xi32, #tpu.memory_space<vmem>> -> memref<16xi32, #tpu.memory_space<vmem>>
      %dma_wait3A_179 = arith.constant 0 : i32
      %dma_wait3A_180 = arith.constant 0 : i32
      %dma_wait3A_181 = tpu.memref_slice %arg2[%dma_wait3A_179, %dma_wait3A_180] : memref<20000x1024xf32, #tpu.memory_space<hbm>> -> memref<20000x1024xf32, #tpu.memory_space<hbm>>
      tpu.wait_indirect_dma semaphore(%arg13 : memref<!tpu.dma_semaphore, #tpu.memory_space<semaphore_mem>>) src(%dma_wait3A_181 : memref<20000x1024xf32, #tpu.memory_space<hbm>>) dst(%arg10 : memref<16x1024xf32, #tpu.memory_space<vmem>>)
    } else {
    }
    %add3A_96 = arith.constant 64 : i32
    %add3A_97 = arith.addi %add3A, %add3A_96 : i32
    %lt3A_98 = arith.constant 81 : i32
    %lt3A_99 = arith.cmpi slt, %add3A_97, %lt3A_98 : i32
    %convert_element_type3A_100 = arith.extui %lt3A_99 : i1 to i32
    %cond3A_101 = arith.constant 0 : i32
    %cond3A_102 = arith.cmpi ne, %convert_element_type3A_100, %cond3A_101 : i32
    scf.if %cond3A_102 {
      %mul3A_176 = arith.constant 16 : i32
      %mul3A_177 = arith.muli %add3A_97, %mul3A_176 : i32
      %dma_start3A_178 = arith.constant 0 : i32
      %dma_start3A_179 = tpu.memref_slice %arg5[%mul3A_177, %dma_start3A_178] : memref<1300x1024xf32, #tpu.memory_space<hbm>> -> memref<16x1024xf32, #tpu.memory_space<hbm>>
      %dma_start3A_180 = arith.constant 0 : i32
      %dma_start3A_181 = tpu.memref_slice %arg5[%mul3A_177, %dma_start3A_180] : memref<1300x1024xf32, #tpu.memory_space<hbm>> -> memref<16x1024xf32, #tpu.memory_space<hbm>>
      tpu.enqueue_dma source(%arg10 : memref<16x1024xf32, #tpu.memory_space<vmem>>) target(%dma_start3A_181 : memref<16x1024xf32, #tpu.memory_space<hbm>>) target_semaphore(%arg16 : memref<!tpu.dma_semaphore, #tpu.memory_space<semaphore_mem>>)
    } else {
    }
    %eq3A_103 = arith.constant 81 : i32
    %eq3A_104 = arith.cmpi eq, %add3A_97, %eq3A_103 : i32
    %convert_element_type3A_105 = arith.extui %eq3A_104 : i1 to i32
    %cond3A_106 = arith.constant 0 : i32
    %cond3A_107 = arith.cmpi ne, %convert_element_type3A_105, %cond3A_106 : i32
    scf.if %cond3A_107 {
      %dma_start3A_176 = arith.constant 0 : i32
      %dma_start3A_177 = arith.constant 0 : i32
      %dma_start3A_178 = tpu.memref_slice %arg10[%dma_start3A_176, %dma_start3A_177] : memref<16x1024xf32, #tpu.memory_space<vmem>> -> memref<4x1024xf32, #tpu.memory_space<vmem>>
      %dma_start3A_179 = arith.constant 1296 : i32
      %dma_start3A_180 = arith.constant 0 : i32
      %dma_start3A_181 = tpu.memref_slice %arg5[%dma_start3A_179, %dma_start3A_180] : memref<1300x1024xf32, #tpu.memory_space<hbm>> -> memref<4x1024xf32, #tpu.memory_space<hbm>>
      %dma_start3A_182 = arith.constant 1296 : i32
      %dma_start3A_183 = arith.constant 0 : i32
      %dma_start3A_184 = tpu.memref_slice %arg5[%dma_start3A_182, %dma_start3A_183] : memref<1300x1024xf32, #tpu.memory_space<hbm>> -> memref<4x1024xf32, #tpu.memory_space<hbm>>
      %dma_start3A_185 = arith.constant 0 : i32
      %dma_start3A_186 = arith.constant 0 : i32
      %dma_start3A_187 = tpu.memref_slice %arg10[%dma_start3A_185, %dma_start3A_186] : memref<16x1024xf32, #tpu.memory_space<vmem>> -> memref<4x1024xf32, #tpu.memory_space<vmem>>
      tpu.enqueue_dma source(%dma_start3A_187 : memref<4x1024xf32, #tpu.memory_space<vmem>>) target(%dma_start3A_184 : memref<4x1024xf32, #tpu.memory_space<hbm>>) target_semaphore(%arg16 : memref<!tpu.dma_semaphore, #tpu.memory_space<semaphore_mem>>)
    } else {
    }
    %ge3A_108 = arith.constant 82 : i32
    %ge3A_109 = arith.cmpi sge, %add3A_97, %ge3A_108 : i32
    %lt3A_110 = arith.constant 88 : i32
    %lt3A_111 = arith.cmpi slt, %add3A_97, %lt3A_110 : i32
    %and3A_112 = arith.andi %ge3A_109, %lt3A_111 : i1
    %convert_element_type3A_113 = arith.extui %and3A_112 : i1 to i32
    %cond3A_114 = arith.constant 0 : i32
    %cond3A_115 = arith.cmpi ne, %convert_element_type3A_113, %cond3A_114 : i32
    scf.if %cond3A_115 {
      %sub3A = arith.constant 82 : i32
      %sub3A_176 = arith.subi %add3A_97, %sub3A : i32
      %mul3A_177 = arith.constant 16 : i32
      %mul3A_178 = arith.muli %sub3A_176, %mul3A_177 : i32
      %dma_start3A_179 = arith.constant 0 : i32
      %dma_start3A_180 = tpu.memref_slice %arg6[%mul3A_178, %dma_start3A_179] : memref<96x1024xf32, #tpu.memory_space<hbm>> -> memref<16x1024xf32, #tpu.memory_space<hbm>>
      %dma_start3A_181 = arith.constant 0 : i32
      %dma_start3A_182 = tpu.memref_slice %arg6[%mul3A_178, %dma_start3A_181] : memref<96x1024xf32, #tpu.memory_space<hbm>> -> memref<16x1024xf32, #tpu.memory_space<hbm>>
      tpu.enqueue_dma source(%arg10 : memref<16x1024xf32, #tpu.memory_space<vmem>>) target(%dma_start3A_182 : memref<16x1024xf32, #tpu.memory_space<hbm>>) target_semaphore(%arg16 : memref<!tpu.dma_semaphore, #tpu.memory_space<semaphore_mem>>)
    } else {
    }
    %add3A_116 = arith.constant 0 : i32
    %add3A_117 = arith.addi %add3A, %add3A_116 : i32
    %lt3A_118 = arith.constant 81 : i32
    %lt3A_119 = arith.cmpi slt, %add3A_117, %lt3A_118 : i32
    %convert_element_type3A_120 = arith.extui %lt3A_119 : i1 to i32
    %cond3A_121 = arith.constant 0 : i32
    %cond3A_122 = arith.cmpi ne, %convert_element_type3A_120, %cond3A_121 : i32
    scf.if %cond3A_122 {
      %mul3A_176 = arith.constant 16 : i32
      %mul3A_177 = arith.muli %add3A_117, %mul3A_176 : i32
      %dma_wait3A_178 = arith.constant 0 : i32
      %dma_wait3A_179 = tpu.memref_slice %arg5[%mul3A_177, %dma_wait3A_178] : memref<1300x1024xf32, #tpu.memory_space<hbm>> -> memref<16x1024xf32, #tpu.memory_space<hbm>>
      %dma_wait3A_180 = arith.constant 0 : i32
      %dma_wait3A_181 = tpu.memref_slice %arg5[%mul3A_177, %dma_wait3A_180] : memref<1300x1024xf32, #tpu.memory_space<hbm>> -> memref<16x1024xf32, #tpu.memory_space<hbm>>
      tpu.wait_dma2 semaphore(%arg14 : memref<!tpu.dma_semaphore, #tpu.memory_space<semaphore_mem>>) src(%arg8 : memref<16x1024xf32, #tpu.memory_space<vmem>>) dst(%dma_wait3A_181 : memref<16x1024xf32, #tpu.memory_space<hbm>>)
    } else {
    }
    %eq3A_123 = arith.constant 81 : i32
    %eq3A_124 = arith.cmpi eq, %add3A_117, %eq3A_123 : i32
    %convert_element_type3A_125 = arith.extui %eq3A_124 : i1 to i32
    %cond3A_126 = arith.constant 0 : i32
    %cond3A_127 = arith.cmpi ne, %convert_element_type3A_125, %cond3A_126 : i32
    scf.if %cond3A_127 {
      %dma_wait3A_176 = arith.constant 0 : i32
      %dma_wait3A_177 = arith.constant 0 : i32
      %dma_wait3A_178 = tpu.memref_slice %arg8[%dma_wait3A_176, %dma_wait3A_177] : memref<16x1024xf32, #tpu.memory_space<vmem>> -> memref<4x1024xf32, #tpu.memory_space<vmem>>
      %dma_wait3A_179 = arith.constant 1296 : i32
      %dma_wait3A_180 = arith.constant 0 : i32
      %dma_wait3A_181 = tpu.memref_slice %arg5[%dma_wait3A_179, %dma_wait3A_180] : memref<1300x1024xf32, #tpu.memory_space<hbm>> -> memref<4x1024xf32, #tpu.memory_space<hbm>>
      %dma_wait3A_182 = arith.constant 1296 : i32
      %dma_wait3A_183 = arith.constant 0 : i32
      %dma_wait3A_184 = tpu.memref_slice %arg5[%dma_wait3A_182, %dma_wait3A_183] : memref<1300x1024xf32, #tpu.memory_space<hbm>> -> memref<4x1024xf32, #tpu.memory_space<hbm>>
      %dma_wait3A_185 = arith.constant 0 : i32
      %dma_wait3A_186 = arith.constant 0 : i32
      %dma_wait3A_187 = tpu.memref_slice %arg8[%dma_wait3A_185, %dma_wait3A_186] : memref<16x1024xf32, #tpu.memory_space<vmem>> -> memref<4x1024xf32, #tpu.memory_space<vmem>>
      tpu.wait_dma2 semaphore(%arg14 : memref<!tpu.dma_semaphore, #tpu.memory_space<semaphore_mem>>) src(%dma_wait3A_187 : memref<4x1024xf32, #tpu.memory_space<vmem>>) dst(%dma_wait3A_184 : memref<4x1024xf32, #tpu.memory_space<hbm>>)
    } else {
    }
    %ge3A_128 = arith.constant 82 : i32
    %ge3A_129 = arith.cmpi sge, %add3A_117, %ge3A_128 : i32
    %lt3A_130 = arith.constant 88 : i32
    %lt3A_131 = arith.cmpi slt, %add3A_117, %lt3A_130 : i32
    %and3A_132 = arith.andi %ge3A_129, %lt3A_131 : i1
    %convert_element_type3A_133 = arith.extui %and3A_132 : i1 to i32
    %cond3A_134 = arith.constant 0 : i32
    %cond3A_135 = arith.cmpi ne, %convert_element_type3A_133, %cond3A_134 : i32
    scf.if %cond3A_135 {
      %sub3A = arith.constant 82 : i32
      %sub3A_176 = arith.subi %add3A_117, %sub3A : i32
      %mul3A_177 = arith.constant 16 : i32
      %mul3A_178 = arith.muli %sub3A_176, %mul3A_177 : i32
      %dma_wait3A_179 = arith.constant 0 : i32
      %dma_wait3A_180 = tpu.memref_slice %arg6[%mul3A_178, %dma_wait3A_179] : memref<96x1024xf32, #tpu.memory_space<hbm>> -> memref<16x1024xf32, #tpu.memory_space<hbm>>
      %dma_wait3A_181 = arith.constant 0 : i32
      %dma_wait3A_182 = tpu.memref_slice %arg6[%mul3A_178, %dma_wait3A_181] : memref<96x1024xf32, #tpu.memory_space<hbm>> -> memref<16x1024xf32, #tpu.memory_space<hbm>>
      tpu.wait_dma2 semaphore(%arg14 : memref<!tpu.dma_semaphore, #tpu.memory_space<semaphore_mem>>) src(%arg8 : memref<16x1024xf32, #tpu.memory_space<vmem>>) dst(%dma_wait3A_182 : memref<16x1024xf32, #tpu.memory_space<hbm>>)
    } else {
    }
    %add3A_136 = arith.constant 32 : i32
    %add3A_137 = arith.addi %add3A, %add3A_136 : i32
    %lt3A_138 = arith.constant 81 : i32
    %lt3A_139 = arith.cmpi slt, %add3A_137, %lt3A_138 : i32
    %convert_element_type3A_140 = arith.extui %lt3A_139 : i1 to i32
    %cond3A_141 = arith.constant 0 : i32
    %cond3A_142 = arith.cmpi ne, %convert_element_type3A_140, %cond3A_141 : i32
    scf.if %cond3A_142 {
      %mul3A_176 = arith.constant 16 : i32
      %mul3A_177 = arith.muli %add3A_137, %mul3A_176 : i32
      %dma_wait3A_178 = arith.constant 0 : i32
      %dma_wait3A_179 = tpu.memref_slice %arg5[%mul3A_177, %dma_wait3A_178] : memref<1300x1024xf32, #tpu.memory_space<hbm>> -> memref<16x1024xf32, #tpu.memory_space<hbm>>
      %dma_wait3A_180 = arith.constant 0 : i32
      %dma_wait3A_181 = tpu.memref_slice %arg5[%mul3A_177, %dma_wait3A_180] : memref<1300x1024xf32, #tpu.memory_space<hbm>> -> memref<16x1024xf32, #tpu.memory_space<hbm>>
      tpu.wait_dma2 semaphore(%arg15 : memref<!tpu.dma_semaphore, #tpu.memory_space<semaphore_mem>>) src(%arg9 : memref<16x1024xf32, #tpu.memory_space<vmem>>) dst(%dma_wait3A_181 : memref<16x1024xf32, #tpu.memory_space<hbm>>)
    } else {
    }
    %eq3A_143 = arith.constant 81 : i32
    %eq3A_144 = arith.cmpi eq, %add3A_137, %eq3A_143 : i32
    %convert_element_type3A_145 = arith.extui %eq3A_144 : i1 to i32
    %cond3A_146 = arith.constant 0 : i32
    %cond3A_147 = arith.cmpi ne, %convert_element_type3A_145, %cond3A_146 : i32
    scf.if %cond3A_147 {
      %dma_wait3A_176 = arith.constant 0 : i32
      %dma_wait3A_177 = arith.constant 0 : i32
      %dma_wait3A_178 = tpu.memref_slice %arg9[%dma_wait3A_176, %dma_wait3A_177] : memref<16x1024xf32, #tpu.memory_space<vmem>> -> memref<4x1024xf32, #tpu.memory_space<vmem>>
      %dma_wait3A_179 = arith.constant 1296 : i32
      %dma_wait3A_180 = arith.constant 0 : i32
      %dma_wait3A_181 = tpu.memref_slice %arg5[%dma_wait3A_179, %dma_wait3A_180] : memref<1300x1024xf32, #tpu.memory_space<hbm>> -> memref<4x1024xf32, #tpu.memory_space<hbm>>
      %dma_wait3A_182 = arith.constant 1296 : i32
      %dma_wait3A_183 = arith.constant 0 : i32
      %dma_wait3A_184 = tpu.memref_slice %arg5[%dma_wait3A_182, %dma_wait3A_183] : memref<1300x1024xf32, #tpu.memory_space<hbm>> -> memref<4x1024xf32, #tpu.memory_space<hbm>>
      %dma_wait3A_185 = arith.constant 0 : i32
      %dma_wait3A_186 = arith.constant 0 : i32
      %dma_wait3A_187 = tpu.memref_slice %arg9[%dma_wait3A_185, %dma_wait3A_186] : memref<16x1024xf32, #tpu.memory_space<vmem>> -> memref<4x1024xf32, #tpu.memory_space<vmem>>
      tpu.wait_dma2 semaphore(%arg15 : memref<!tpu.dma_semaphore, #tpu.memory_space<semaphore_mem>>) src(%dma_wait3A_187 : memref<4x1024xf32, #tpu.memory_space<vmem>>) dst(%dma_wait3A_184 : memref<4x1024xf32, #tpu.memory_space<hbm>>)
    } else {
    }
    %ge3A_148 = arith.constant 82 : i32
    %ge3A_149 = arith.cmpi sge, %add3A_137, %ge3A_148 : i32
    %lt3A_150 = arith.constant 88 : i32
    %lt3A_151 = arith.cmpi slt, %add3A_137, %lt3A_150 : i32
    %and3A_152 = arith.andi %ge3A_149, %lt3A_151 : i1
    %convert_element_type3A_153 = arith.extui %and3A_152 : i1 to i32
    %cond3A_154 = arith.constant 0 : i32
    %cond3A_155 = arith.cmpi ne, %convert_element_type3A_153, %cond3A_154 : i32
    scf.if %cond3A_155 {
      %sub3A = arith.constant 82 : i32
      %sub3A_176 = arith.subi %add3A_137, %sub3A : i32
      %mul3A_177 = arith.constant 16 : i32
      %mul3A_178 = arith.muli %sub3A_176, %mul3A_177 : i32
      %dma_wait3A_179 = arith.constant 0 : i32
      %dma_wait3A_180 = tpu.memref_slice %arg6[%mul3A_178, %dma_wait3A_179] : memref<96x1024xf32, #tpu.memory_space<hbm>> -> memref<16x1024xf32, #tpu.memory_space<hbm>>
      %dma_wait3A_181 = arith.constant 0 : i32
      %dma_wait3A_182 = tpu.memref_slice %arg6[%mul3A_178, %dma_wait3A_181] : memref<96x1024xf32, #tpu.memory_space<hbm>> -> memref<16x1024xf32, #tpu.memory_space<hbm>>
      tpu.wait_dma2 semaphore(%arg15 : memref<!tpu.dma_semaphore, #tpu.memory_space<semaphore_mem>>) src(%arg9 : memref<16x1024xf32, #tpu.memory_space<vmem>>) dst(%dma_wait3A_182 : memref<16x1024xf32, #tpu.memory_space<hbm>>)
    } else {
    }
    %add3A_156 = arith.constant 64 : i32
    %add3A_157 = arith.addi %add3A, %add3A_156 : i32
    %lt3A_158 = arith.constant 81 : i32
    %lt3A_159 = arith.cmpi slt, %add3A_157, %lt3A_158 : i32
    %convert_element_type3A_160 = arith.extui %lt3A_159 : i1 to i32
    %cond3A_161 = arith.constant 0 : i32
    %cond3A_162 = arith.cmpi ne, %convert_element_type3A_160, %cond3A_161 : i32
    scf.if %cond3A_162 {
      %mul3A_176 = arith.constant 16 : i32
      %mul3A_177 = arith.muli %add3A_157, %mul3A_176 : i32
      %dma_wait3A_178 = arith.constant 0 : i32
      %dma_wait3A_179 = tpu.memref_slice %arg5[%mul3A_177, %dma_wait3A_178] : memref<1300x1024xf32, #tpu.memory_space<hbm>> -> memref<16x1024xf32, #tpu.memory_space<hbm>>
      %dma_wait3A_180 = arith.constant 0 : i32
      %dma_wait3A_181 = tpu.memref_slice %arg5[%mul3A_177, %dma_wait3A_180] : memref<1300x1024xf32, #tpu.memory_space<hbm>> -> memref<16x1024xf32, #tpu.memory_space<hbm>>
      tpu.wait_dma2 semaphore(%arg16 : memref<!tpu.dma_semaphore, #tpu.memory_space<semaphore_mem>>) src(%arg10 : memref<16x1024xf32, #tpu.memory_space<vmem>>) dst(%dma_wait3A_181 : memref<16x1024xf32, #tpu.memory_space<hbm>>)
    } else {
    }
    %eq3A_163 = arith.constant 81 : i32
    %eq3A_164 = arith.cmpi eq, %add3A_157, %eq3A_163 : i32
    %convert_element_type3A_165 = arith.extui %eq3A_164 : i1 to i32
    %cond3A_166 = arith.constant 0 : i32
    %cond3A_167 = arith.cmpi ne, %convert_element_type3A_165, %cond3A_166 : i32
    scf.if %cond3A_167 {
      %dma_wait3A_176 = arith.constant 0 : i32
      %dma_wait3A_177 = arith.constant 0 : i32
      %dma_wait3A_178 = tpu.memref_slice %arg10[%dma_wait3A_176, %dma_wait3A_177] : memref<16x1024xf32, #tpu.memory_space<vmem>> -> memref<4x1024xf32, #tpu.memory_space<vmem>>
      %dma_wait3A_179 = arith.constant 1296 : i32
      %dma_wait3A_180 = arith.constant 0 : i32
      %dma_wait3A_181 = tpu.memref_slice %arg5[%dma_wait3A_179, %dma_wait3A_180] : memref<1300x1024xf32, #tpu.memory_space<hbm>> -> memref<4x1024xf32, #tpu.memory_space<hbm>>
      %dma_wait3A_182 = arith.constant 1296 : i32
      %dma_wait3A_183 = arith.constant 0 : i32
      %dma_wait3A_184 = tpu.memref_slice %arg5[%dma_wait3A_182, %dma_wait3A_183] : memref<1300x1024xf32, #tpu.memory_space<hbm>> -> memref<4x1024xf32, #tpu.memory_space<hbm>>
      %dma_wait3A_185 = arith.constant 0 : i32
      %dma_wait3A_186 = arith.constant 0 : i32
      %dma_wait3A_187 = tpu.memref_slice %arg10[%dma_wait3A_185, %dma_wait3A_186] : memref<16x1024xf32, #tpu.memory_space<vmem>> -> memref<4x1024xf32, #tpu.memory_space<vmem>>
      tpu.wait_dma2 semaphore(%arg16 : memref<!tpu.dma_semaphore, #tpu.memory_space<semaphore_mem>>) src(%dma_wait3A_187 : memref<4x1024xf32, #tpu.memory_space<vmem>>) dst(%dma_wait3A_184 : memref<4x1024xf32, #tpu.memory_space<hbm>>)
    } else {
    }
    %ge3A_168 = arith.constant 82 : i32
    %ge3A_169 = arith.cmpi sge, %add3A_157, %ge3A_168 : i32
    %lt3A_170 = arith.constant 88 : i32
    %lt3A_171 = arith.cmpi slt, %add3A_157, %lt3A_170 : i32
    %and3A_172 = arith.andi %ge3A_169, %lt3A_171 : i1
    %convert_element_type3A_173 = arith.extui %and3A_172 : i1 to i32
    %cond3A_174 = arith.constant 0 : i32
    %cond3A_175 = arith.cmpi ne, %convert_element_type3A_173, %cond3A_174 : i32
    scf.if %cond3A_175 {
      %sub3A = arith.constant 82 : i32
      %sub3A_176 = arith.subi %add3A_157, %sub3A : i32
      %mul3A_177 = arith.constant 16 : i32
      %mul3A_178 = arith.muli %sub3A_176, %mul3A_177 : i32
      %dma_wait3A_179 = arith.constant 0 : i32
      %dma_wait3A_180 = tpu.memref_slice %arg6[%mul3A_178, %dma_wait3A_179] : memref<96x1024xf32, #tpu.memory_space<hbm>> -> memref<16x1024xf32, #tpu.memory_space<hbm>>
      %dma_wait3A_181 = arith.constant 0 : i32
      %dma_wait3A_182 = tpu.memref_slice %arg6[%mul3A_178, %dma_wait3A_181] : memref<96x1024xf32, #tpu.memory_space<hbm>> -> memref<16x1024xf32, #tpu.memory_space<hbm>>
      tpu.wait_dma2 semaphore(%arg16 : memref<!tpu.dma_semaphore, #tpu.memory_space<semaphore_mem>>) src(%arg10 : memref<16x1024xf32, #tpu.memory_space<vmem>>) dst(%dma_wait3A_182 : memref<16x1024xf32, #tpu.memory_space<hbm>>)
    } else {
    }
    return
  }
}

</mosaic_0001>

<sc_bundles>
// kernel: kernel.3.cloned.1.call-start
scs
__scs_entry_jumppad:
0x0: {  	(pc) =	sbr.rel $0x88, $3  }
0x1: {  	(tag) =	ssettag $0x0;
	lr =	simm.s32 $0x1  }
0x2: {  	[smem:$0x3F9E] =	sst lr;
	_ =	strace $0xD0000000  }
0x3: {  	_ = 	snop  }
0x4: {  	_ = 	snop  }
0x5: {  	_ = 	snop  }
0x6: {  	_ = 	snop  }
0x7: {  	_ = 	snop  }
__scs_overlays_trampoline_lowered:
0x8: {  	[smem:$0x3FAD] =	sst s0  }
0x9: {  	[smem:$0x3FAE] =	sst s1  }
0xa: {  	[smem:$0x3FAF] =	sst s2  }
0xb: {  	[smem:$0x3FB0] =	sst s3  }
0xc: {  	[smem:$0x3FB1] =	sst s4  }
0xd: {  	[smem:$0x3FB2] =	sst s5  }
0xe: {  	[smem:$0x3FB3] =	sst s6  }
0xf: {  	[smem:$0x3FB4] =	sst s7  }
0x10: {  	[smem:$0x3FB5] =	sst s8  }
0x11: {  	[smem:$0x3FB6] =	sst s9;
	s0 =	simm.s32 @!p0 $0x0  }
0x12: {  	s1 =	sld [smem:$0x3F9C];
	s0 =	simm.s32 @p0 $0x1  }
0x13: {  	[smem:$0x3FB7] =	sst s0;
	s0 =	simm.s32 @!p1 $0x0  }
0x14: {  	s2 =	sld [smem:$0x3F9B];
	s0 =	simm.s32 @p1 $0x1  }
0x15: {  	[smem:$0x3FB8] =	sst s0;
	s0 =	simm.s32 @!p2 $0x0  }
0x16: {  	s3 =	sld [smem:$0x3FDB];
	s0 =	simm.s32 @p2 $0x1  }
0x17: {  	s4 =	simm.s32 $0x1BF5;
	[smem:$0x3FBA] =	sst s0  }
0x18: {  	s0 =	sld [smem:$0x3F9D];
	_ =	swait.ge [sflag:s4], $0x0  }
0x19: {  	s7 =	sld [smem:$0x3F9E]  }
0x1a: {  	s8 =	sadd.s32 $0xFFFFE003, lr  }
0x1b: {  	s9 =	sadd.s32 $0xFFFFFEF7, lr;
	s5 =	simm.s32 $0xFFFFFFFF;
	p2 =	slt.u32 s8, $0xFFFFF086  }
0x1c: {  	p1 =	slt.u32 s9, $0xF7A;
	s5 =	simm.s32 @!p2 $0x0  }
0x1d: {  	s5 =	simm.s32 @p1 $0x1;
	p0 =	seq.s32 s7, s2  }
0x1e: {  	s7 =	smul.u32 @!p0 $0xF7A, s2;
	p2 =	seq.s32 @!p0 s5, $0x0  }
0x1f: {  	s9 =	smul.u32 $0xF7A, s1;
	s8 =	simm.s32 @!p0 $0x1BF5;
	p2 =	por !p2, p0  }
0x20: {  	[sflag:s8] =	ssyncset.s32 @!p0 $0xFFFFF086;
	s6 =	sadd.s32 @!p0 s3, s7;
	s7 =	simm.s32 @!p0 $0x108  }
0x21: {  	s3 =	sadd.s32 s3, s9;
	s6 =	sadd.s32 @!p0 $0x88, s6;
	s7 =	simm.s32 @p2 $0x1082  }
0x22: {  	[simem:s7], [sflag:s8] =	dma.local @!p0 [hbm:s6], $0xF7A  }
0x23: {  	s9 =	sor.u32 $0xD0000000, s2;
	s6 =	simm.s32 $0x108;
	_ =	swait.ge @!p0 [sflag:s8], $0x0  }
0x24: {  	s3 =	sadd.s32 $0x88, s3;
	s6 =	simm.s32 @!p1 $0x1082;
	[sflag:s4] =	ssyncset.s32 $0xFFFFF086  }
0x25: {  	[simem:s6], [sflag:s4] =	dma.local [hbm:s3], $0xF7A  }
0x26: {  	[smem:$0x3F9E] =	sst s1;
	(tag) =	ssettag s2;
	_ =	strace s9  }
0x27: {  	s1 =	sld [smem:$0x3FAE]  }
0x28: {  	s2 =	sld [smem:$0x3FAF]  }
0x29: {  	s4 =	sld [smem:$0x3FB1]  }
0x2a: {  	p0 =	seq.s32 s5, $0x0;
	s5 =	sld [smem:$0x3FB2]  }
0x2b: {  	s6 =	sld [smem:$0x3FB3]  }
0x2c: {  	s7 =	sld [smem:$0x3FB4]  }
0x2d: {  	s3 =	simm.s32 $0x108;
	s8 =	sld [smem:$0x3FB5]  }
0x2e: {  	s3 =	simm.s32 @!p0 $0x1082;
	s9 =	sld [smem:$0x3FB6]  }
0x2f: {  	lr =	sadd.s32 s0, s3;
	s0 =	sld [smem:$0x3FAD]  }
0x30: {  	s3 =	sld [smem:$0x3FB0]  }
0x31: {  	[smem:$0x3FB9] =	sst s10  }
0x32: {  	s10 =	sld [smem:$0x3FB7];
	_ =	sdelay $0x3  }
0x33: {  	p0 =	seq.s32 s10, $0x1;
	s10 =	sld [smem:$0x3FB9];
	_ =	sdelay $0x3  }
0x34: {  	[smem:$0x3FB9] =	sst s10  }
0x35: {  	s10 =	sld [smem:$0x3FB8];
	_ =	sdelay $0x3  }
0x36: {  	p1 =	seq.s32 s10, $0x1;
	s10 =	sld [smem:$0x3FB9];
	_ =	sdelay $0x3  }
0x37: {  	[smem:$0x3FB9] =	sst s10  }
0x38: {  	s10 =	sld [smem:$0x3FBA]  }
0x39: {  	_ = 	snop;
	(pc) =	sbr.ind lr, $3  }
0x3a: {  	_ = 	snop  }
0x3b: {  	_ = 	snop  }
0x3c: {  	p2 =	seq.s32 s10, $0x1;
	s10 =	sld [smem:$0x3FB9]  }
0x3d: {  	_ =	shalt  }
0x3e: {  	_ =	shalt  }
0x3f: {  	_ =	shalt  }
0x40: {  	_ =	shalt  }
0x41: {  	_ =	shalt  }
0x42: {  	_ =	shalt  }
0x43: {  	_ =	shalt  }
0x44: {  	_ =	shalt  }
0x45: {  	_ =	shalt  }
0x46: {  	_ =	shalt  }
0x47: {  	_ =	shalt  }
0x48: {  	_ =	shalt  }
0x49: {  	_ =	shalt  }
0x4a: {  	_ =	shalt  }
0x4b: {  	_ =	shalt  }
0x4c: {  	_ =	shalt  }
0x4d: {  	_ =	shalt  }
0x4e: {  	_ =	shalt  }
0x4f: {  	_ =	shalt  }
0x50: {  	_ =	shalt  }
0x51: {  	_ =	shalt  }
0x52: {  	_ =	shalt  }
0x53: {  	_ =	shalt  }
0x54: {  	_ =	shalt  }
0x55: {  	_ =	shalt  }
0x56: {  	_ =	shalt  }
0x57: {  	_ =	shalt  }
0x58: {  	_ =	shalt  }
0x59: {  	_ =	shalt  }
0x5a: {  	_ =	shalt  }
0x5b: {  	_ =	shalt  }
0x5c: {  	_ =	shalt  }
0x5d: {  	_ =	shalt  }
0x5e: {  	_ =	shalt  }
0x5f: {  	_ =	shalt  }
0x60: {  	_ =	shalt  }
0x61: {  	_ =	shalt  }
0x62: {  	_ =	shalt  }
0x63: {  	_ =	shalt  }
0x64: {  	_ =	shalt  }
0x65: {  	_ =	shalt  }
0x66: {  	_ =	shalt  }
0x67: {  	_ =	shalt  }
0x68: {  	_ =	shalt  }
0x69: {  	_ =	shalt  }
0x6a: {  	_ =	shalt  }
0x6b: {  	_ =	shalt  }
0x6c: {  	_ =	shalt  }
0x6d: {  	_ =	shalt  }
0x6e: {  	_ =	shalt  }
0x6f: {  	_ =	shalt  }
0x70: {  	_ =	shalt  }
0x71: {  	_ =	shalt  }
0x72: {  	_ =	shalt  }
0x73: {  	_ =	shalt  }
0x74: {  	_ =	shalt  }
0x75: {  	_ =	shalt  }
0x76: {  	_ =	shalt  }
0x77: {  	_ =	shalt  }
0x78: {  	_ =	shalt  }
0x79: {  	_ =	shalt  }
0x7a: {  	_ =	shalt  }
0x7b: {  	_ =	shalt  }
0x7c: {  	_ =	shalt  }
0x7d: {  	_ =	shalt  }
0x7e: {  	_ =	shalt  }
0x7f: {  	_ =	shalt  }
0x80: {  	_ =	shalt  }
0x81: {  	_ =	shalt  }
0x82: {  	_ =	shalt  }
0x83: {  	_ =	shalt  }
0x84: {  	_ =	shalt  }
0x85: {  	_ =	shalt  }
0x86: {  	_ =	shalt  }
0x87: {  	_ =	shalt  }
.Lfunc_end0:
.L_simem_size_0:
called_computation_lowered:
.L_overlay_start_0:
0x88: {  	s2 =	sld [smem:$0x3FD9]  }
0x89: {  	s3 =	sld [smem:$0x3FFE];
	_ =	sdelay $0x1  }
0x8a: {  	s1 =	srdreg.scid  }
0x8b: {  	s0 =	sand.u32 $0x1, s1  }
0x8c: {  	s15 =	sshll.u32 s0, $0xA;
	s2 =	sadd.s32 s3, s2  }
0x8d: {  	s2 =	sadd.s32 s2, s15  }
0x8e: {  	[smem:$0x3FC5] =	sst s2  }
0x8f: {  	_ = 	snop  }
0x90: {  	s2 =	sld [smem:$0x3FD0]  }
0x91: {  	s16 =	sld [smem:$0x3FC9]  }
0x92: {  	s4 =	sld [smem:$0x3FC8]  }
0x93: {  	s6 =	simm.s32 $0xA;
	s7 =	simm.s32 $0x10;
	s5 =	sld [smem:$0x3FC7]  }
0x94: {  	[smem:s7], [sflag:s6] =	dma.local [hbm:s2], $0x1  }
0x95: {  	_ =	swait.eq [sflag:s6], $0x1  }
0x96: {  	[sflag:s6] =	ssyncset.done $0x0  }
0x97: {  	s17 =	sld [smem:$0x10];
	[sflag:s6] =	ssyncadd.s32 $0xFFFFFFFF  }
0x98: {  	s18 =	sld [smem:$0x11];
	(tm) =	ssettm $0x1  }
0x99: {  	s19 =	sld [smem:$0x3FFB];
	_ =	sdelay $0x3  }
0x9a: {  	_ =	strace s19  }
0x9b: {  	s7 =	sld [smem:$0x3FFC];
	_ =	sdelay $0x3  }
0x9c: {  	_ =	strace s7  }
0x9d: {  	s7 =	sld [smem:$0x3FFD];
	_ =	sdelay $0x3  }
0x9e: {  	_ =	strace s7  }
0x9f: {  	_ =	strace $0x8FFFFFFF  }
0xa0: {  	s20 =	sld [smem:$0x3FDB];
	_ =	sdelay $0x1  }
0xa1: {  	s8 =	simm.s32 $_scs_section_size  }
0xa2: {  	s9 =	simm.s32 $_size__tile_overlayer_lowered;
	s10 =	simm.s32 $_tile_overlayer_lowered  }
0xa3: {  	s23 =	simm.s32 $0x1BFF;
	s22 =	sshll.u32 s10, $0x1;
	s7 =	sadd.s32 s8, s20  }
0xa4: {  	s11 =	simm.s32 $0x0;
	s21 =	sshll.u32 s9, $0x1;
	s9 =	sadd.s32 s22, s7  }
0xa5: {  	[timem:s11], [sflag:s23] =	dma.local [hbm:s9], s21  }
0xa6: {  	_ =	swait.ge [sflag:s23], s21  }
0xa7: {  	s8 =	ssub.s32 $0x0, s21;
	[sflag:s23] =	ssyncset.done $0x0  }
0xa8: {  	[sflag:s23] =	ssyncadd.s32 s8;
	_ =	sdelay $0x1  }
0xa9: {  	s24 =	simm.s32 $0x1B8B  }
0xaa: {  	_ =	swait.ge [sflag:s24], $0x1  }
0xab: {  	[sflag:s24] =	ssyncset.done $0x0  }
0xac: {  	s25 =	simm.s32 $0x1B8E;
	[sflag:s24] =	ssyncadd.s32 $0xFFFFFFFF  }
0xad: {  	s26 =	simm.s32 $execute0_lowered;
	[smem:$0x3FD2] =	sst s25  }
0xae: {  	s8 =	sshll.u32 s26, $0x1;
	_ =	strace $0x80000046;
	[dreg:$0x1] =	wrdreg $0xFFFFFFFF  }
0xaf: {  	s28 =	simm.s32 $_size_execute0_lowered;
	s7 =	sadd.s32 s7, s8;
	[dreg:$0x0] =	wrdreg $0x0  }
0xb0: {  	s8 =	sshll.u32 s28, $0x1;
	[dreg:$0x2] =	wrdreg s7  }
0xb1: {  	[dreg:$0x3] =	wrdreg s8  }
0xb2: {  	[dreg:$0x4] =	wrdreg $0xC0  }
0xb3: {  	_ =	task [dreg:s11], $0x5FFFF  }
0xb4: {  	[dreg:$0x1] =	wrdreg $0xFFFFFFFF  }
0xb5: {  	[dreg:$0x0] =	wrdreg $0x60  }
0xb6: {  	[dreg:$0x2] =	wrdreg s16  }
0xb7: {  	[dreg:$0x3] =	wrdreg s4  }
0xb8: {  	[dreg:$0x4] =	wrdreg s5  }
0xb9: {  	[dreg:$0x5] =	wrdreg s17  }
0xba: {  	[dreg:$0x6] =	wrdreg s18  }
0xbb: {  	[dreg:$0x7] =	wrdreg $0x9  }
0xbc: {  	_ =	task.clear_ibuf [dreg:s11], $0x8FFFF;
	_ =	strace $0x90000046  }
0xbd: {  	s29 =	simm.s32 $0x9;
	_ =	strace $0x80000048  }
0xbe: {  	_ =	swait.ge [sflag:s29], $0x1  }
0xbf: {  	[sflag:s29] =	ssyncadd.s32 $0xFFFFFFFF  }
0xc0: {  	_ =	strace $0x90000048  }
0xc1: {  	_ =	sfence  }
0xc2: {  	s30 =	sld [smem:$0x0];
	_ =	sdelay $0x2  }
0xc3: {  	s31 =	sshll.u32 s1, $0xD;
	s1 =	sshrl.u32 s1, $0x2  }
0xc4: {  	s3 =	sand.u32 $0x4000, s31;
	s1 =	sadd.s32 s1, s30  }
0xc5: {  	s0 =	sor.u32 s3, s0;
	s1 =	sshll.u32 s1, $0x11  }
0xc6: {  	s0 =	sor.u32 s1, s0  }
0xc7: {  	s0 =	sadd.s32 $0x8F2B, s0  }
0xc8: {  	[sflag:s0] =	ssyncadd.remote.s32 $0x1  }
0xc9: {  	_ =	sfence.sel $0xFFFF  }
0xca: {  	[dreg:$0x0] =	wrdreg $0xFFFFFFFF;
	(pc) =	sbr.abs _section_cstart, $3  }
0xcb: {  	[dreg:$0x1] =	wrdreg $0xFFFFFFFF  }
0xcc: {  	_ =	task.clear_ibuf [dreg:s11], $0x2FFFF;
	_ =	strace $0x9FFFFFFF  }
0xcd: {  	(tm) =	ssettm $0x7FFFFFFF  }
tec
execute0_lowered:
.L_overlay_start_1:
0x0: {  	(tag) =	ssettag $0x1  }
0x1: {  	s1 =	rddreg [dreg:$0x0]  }
0x2: {  	s0 =	rddreg [dreg:$0x3]  }
0x3: {  	s2 =	rddreg [dreg:$0x4];
	s3 =	srdreg.scid;
	s5 =	simm.s32 $0x0  }
0x4: {  	s16 =	stileid.u32;
	s18 =	simm.s32 $0x580;
	p0 =	por $0x0, $0x0  }
0x5: {  	s28 =	simm.s32 $0x3D80;
	s29 =	simm.s32 $0x4580;
	s30 =	simm.s32 $0x4D80  }
0x6: {  	s31 =	simm.s32 $0x5580;
	s3 =	sand.u32 $0x1, s3;
	[smem:$0x7FF] =	sst s5  }
0x7: {  	s12 =	sshll.u32 s16, $0x1;
	s7 =	sadd.s32 $0x200, s1;
	s8 =	sadd.s32 $0x300, s1  }
0x8: {  	p2 =	sgt.u32 s16, $0xB;
	s16 =	simm.s32 $0x2;
	s4 =	ssub.s32 $0x2, s3  }
0x9: {  	_ =	strace $0x80000047;
	s3 =	sor.u32 s3, s12;
	s22 =	sadd.s32 $0xFFFFFFEE, s12  }
0xa: {  	s6 =	sshrl.u32 s4, $0x1;
	s14 =	sshll.u32 s3, $0x6;
	s10 =	sor.u32 $0x20, s3  }
0xb: {  	s13 =	sor.u32 $0x40, s3;
	s9 =	sshll.u32 s3, $0xB;
	s11 =	sshll.u32 s3, $0xE  }
0xc: {  	p4 =	sgt.u32 s3, $0x10;
	p6 =	seq.s32 s3, $0x11;
	p3 =	slt.u32 s3, $0x11  }
0xd: {  	s4 =	ssub.s32 s4, s6;
	s6 =	sadd.s32 $0x100, s1;
	s19 =	sshll.u32 s10, $0x6  }
0xe: {  	s20 =	sshll.u32 s13, $0x6;
	s9 =	sadd.s32 s0, s9;
	s10 =	sshll.u32 s10, $0xB  }
0xf: {  	s15 =	sadd.s32 $0xFFFB8000, s11;
	s11 =	sadd.s32 $0x28800, s0;
	s26 =	sshll.u32 s13, $0xB  }
0x10: {  	s17 =	sshrl.u32 s14, $0x2;
	p5 =	sne.s32 @!p3 s3, $0x11;
	p1 =	sgt.u32 @!p3 s22, $0x5  }
0x11: {  	p0 =	por @!p3 p6, p6;
	s3 =	simm.s32 $0x7580;
	s14 =	simm.s32 $0x7D80  }
0x12: {  	s10 =	sadd.s32 s0, s10;
	s15 =	sshrl.u32 s15, $0x3;
	s0 =	sadd.s32 s0, s26  }
0x13: {  	s13 =	smax.u32 s4, $0x1;
	p1 =	por p3, !p1;
	s12 =	sadd.s32 s2, s15  }
0x14: {  	s24 =	sshrl.u32 s19, $0x2;
	s12 =	smov.u32 @p3 s0;
	s0 =	simm.s32 @!p1 $0x0  }
0x15: {  	s25 =	sshrl.u32 @!p2 s20, $0x2;
	p5 =	por p5, p3;
	s0 =	simm.s32 @p1 $0x1  }
.Ltmp0:
0x16: {  	[smem:$0x7FB] =	sst s0;
	s0 =	simm.s32 @!p6 $0x0;
	(pc) =	sbr.rel .LBB2_1-.Ltmp0, $4  }
0x17: {  	s26 =	simm.s32 $0x3580;
	s4 =	simm.s32 $0x6580;
	s0 =	simm.s32 @p6 $0x1  }
0x18: {  	v2 =	vlaneseq.u32;
	vm0 =	vmmov $0xf;
	s19 =	simm.s32 $0x4;
	[smem:$0x7FC] =	sst s0;
	s0 =	simm.s32 @!p0 $0x0  }
0x19: {  	vm1 =	vmmov $0xffff;
	v1 =	vshrl.u32 v2, $0x3;
	v0 =	vand.u32 $0x7, v2;
	s20 =	simm.s32 $0x5;
	s15 =	simm.s32 $0x1;
	s0 =	simm.s32 @p0 $0x1  }
0x1a: {  	v2 =	vor.u32 $0x8, v2;
	v1 =	vmul.u32 $0x8, v1;
	vm2 =	vmmov @!p2 $0xffff;
	s2 =	simm.s32 $0x6D80;
	[smem:$0x7FD] =	sst s0;
	s0 =	simm.s32 $0x5D80  }
.LBB2_3:
0x1b: {  	_ =	swait.ge [sflag:s19], $0x4000  }
0x1c: {  	[sflag:s19] =	ssyncset.done $0x0  }
0x1d: {  	[sflag:s19] =	ssyncadd.s32 $0xFFFFC000  }
0x1e: {  	_ =	swait.ge [sflag:s20], $0x4000  }
0x1f: {  	[sflag:s20] =	ssyncset.done $0x0  }
0x20: {  	s21 =	simm.s32 @!p4 $0x6;
	[sflag:s20] =	ssyncadd.s32 $0xFFFFC000  }
0x21: {  	_ =	swait.ge @!p4 [sflag:s21], $0x4000  }
0x22: {  	[sflag:s21] =	ssyncset.done @!p4 $0x0  }
0x23: {  	[sflag:s21] =	ssyncadd.s32 @!p4 $0xFFFFC000;
	s21 =	simm.s32 @p1 $0x6  }
0x24: {  	_ =	swait.ge @p1 [sflag:s21], $0x1000  }
0x25: {  	s13 =	sadd.s32 $0xFFFFFFFF, s13;
	[sflag:s21] =	ssyncset.done @p1 $0x0  }
0x26: {  	[sflag:s21] =	ssyncadd.s32 @p1 $0xFFFFF000;
	p1 =	sne.s32 s13, $0x0  }
.Ltmp1:
0x27: {  	_ = 	snop;
	(pc) =	sbr.rel @!p1 .LBB2_4-.Ltmp1, $4  }
0x28: {  	s21 =	simm.s32 @p0 $0x6  }
0x29: {  	_ =	swait.ge @p0 [sflag:s21], $0x4000  }
0x2a: {  	[sflag:s21] =	ssyncset.done @p0 $0x0  }
0x2b: {  	[sflag:s21] =	ssyncadd.s32 @p0 $0xFFFFC000  }
.LBB2_1:
0x2c: {  	s21 =	rddreg [dreg:$0x1]  }
0x2d: {  	[tilespmem:s5], [sflag:$0x1] =	stream.linear.gather [hbm4b:s21+s5], $0x514, $0x38;
	[tilespmem:$0xC580] =	vst v63  }
0x2e: {  	s23 =	rddreg [dreg:$0x2];
	s22 =	simm.s32 $0x520  }
0x2f: {  	[tilespmem:s22], [sflag:$0x2] =	stream.linear.gather [hbm4b:s23+s5], $0x60, $0x38;
	[tilespmem:$0xC580] =	vst v63  }
0x30: {  	_ =	swait.ge [sflag:s15], $0x514  }
0x31: {  	[sflag:s15] =	ssyncset.done $0x0  }
0x32: {  	[sflag:s15] =	ssyncadd.s32 $0xFFFFFAEC  }
0x33: {  	_ =	swait.ge [sflag:s16], $0x60  }
0x34: {  	[sflag:s16] =	ssyncset.done $0x0  }
0x35: {  	[sflag:s16] =	ssyncadd.s32 $0xFFFFFFA0  }
0x36: {  	v3 =	vld [tilespmem:s17+$0x0];
	_ =	sdelay $0x4  }
0x37: {  	v4 =	vshll.u32 v3, $0x3  }
0x38: {  	v3 =	vand.u32 $0x7, v3;
	v4 =	vand.u32 $0xFFFFFFC0, v4  }
0x39: {  	v3 =	vor.u32 v3, v4  }
0x3a: {  	v62 =	vld [tilespmem:$0x510];
	v5 =	vperm.xlane v3, v0;
	_ =	sdelay $0x1  }
0x3b: {  	v5 =	vadd.s32 v1, v5;
	_ =	sdelay $0x2  }
0x3c: {  	v4 =	vnsel vm0, $0x0, v62  }
0x3d: {  	[tilespmem:$0x510] =	vst v4  }
0x3e: {  	[tilespmem:s18], [sflag:$0x1] =	stream.indirect_vreg.gather [hbm4b:s1+s5], $0x80, v5, vm1, $0xb8;
	[tilespmem:$0xC580] =	vst v63  }
0x3f: {  	s23 =	simm.s32 $0xD80;
	v3 =	vperm.xlane v3, v2  }
0x40: {  	[tilespmem:s23], [sflag:$0x1] =	stream.indirect_vreg.gather [hbm4b:s6+s5], $0x80, v5, vm1, $0xb8;
	[tilespmem:$0xC580] =	vst v63  }
0x41: {  	s22 =	simm.s32 $0x1580;
	v3 =	vadd.s32 v1, v3  }
0x42: {  	[tilespmem:s22], [sflag:$0x1] =	stream.indirect_vreg.gather [hbm4b:s7+s5], $0x80, v5, vm1, $0xb8;
	[tilespmem:$0xC580] =	vst v63  }
0x43: {  	s23 =	simm.s32 $0x1D80  }
0x44: {  	[tilespmem:s23], [sflag:$0x1] =	stream.indirect_vreg.gather [hbm4b:s8+s5], $0x80, v5, vm1, $0xb8;
	[tilespmem:$0xC580] =	vst v63  }
0x45: {  	s22 =	simm.s32 $0x2580  }
0x46: {  	[tilespmem:s22], [sflag:$0x1] =	stream.indirect_vreg.gather [hbm4b:s1+s5], $0x80, v3, vm1, $0xb8;
	[tilespmem:$0xC580] =	vst v63  }
0x47: {  	s23 =	simm.s32 $0x2D80  }
0x48: {  	[tilespmem:s23], [sflag:$0x1] =	stream.indirect_vreg.gather [hbm4b:s6+s5], $0x80, v3, vm1, $0xb8;
	[tilespmem:$0xC580] =	vst v63  }
0x49: {  	_ = 	snop  }
0x4a: {  	[tilespmem:s26], [sflag:$0x1] =	stream.indirect_vreg.gather [hbm4b:s7+s5], $0x80, v3, vm1, $0xb8;
	[tilespmem:$0xC580] =	vst v63  }
0x4b: {  	_ = 	snop  }
0x4c: {  	[tilespmem:s28], [sflag:$0x1] =	stream.indirect_vreg.gather [hbm4b:s8+s5], $0x80, v3, vm1, $0xb8;
	[tilespmem:$0xC580] =	vst v63  }
0x4d: {  	v3 =	vld [tilespmem:s24+$0x0];
	_ =	sdelay $0x4  }
0x4e: {  	v63 =	vshll.u32 v3, $0x3  }
0x4f: {  	v3 =	vand.u32 $0x7, v3;
	v4 =	vand.u32 $0xFFFFFFC0, v63  }
0x50: {  	v3 =	vor.u32 v3, v4  }
0x51: {  	v4 =	vperm.xlane v3, v0;
	_ =	sdelay $0x1  }
0x52: {  	v4 =	vadd.s32 v1, v4;
	_ =	sdelay $0x4  }
0x53: {  	[tilespmem:s29], [sflag:$0x2] =	stream.indirect_vreg.gather [hbm4b:s1+s5], $0x80, v4, vm1, $0xb8;
	[tilespmem:$0xC580] =	vst v63  }
0x54: {  	v3 =	vperm.xlane v3, v2  }
0x55: {  	[tilespmem:s30], [sflag:$0x2] =	stream.indirect_vreg.gather [hbm4b:s6+s5], $0x80, v4, vm1, $0xb8;
	[tilespmem:$0xC580] =	vst v63  }
0x56: {  	v3 =	vadd.s32 v1, v3  }
0x57: {  	[tilespmem:s31], [sflag:$0x2] =	stream.indirect_vreg.gather [hbm4b:s7+s5], $0x80, v4, vm1, $0xb8;
	[tilespmem:$0xC580] =	vst v63  }
0x58: {  	_ = 	snop  }
0x59: {  	[tilespmem:s0], [sflag:$0x2] =	stream.indirect_vreg.gather [hbm4b:s8+s5], $0x80, v4, vm1, $0xb8;
	[tilespmem:$0xC580] =	vst v63  }
0x5a: {  	_ = 	snop  }
0x5b: {  	[tilespmem:s4], [sflag:$0x2] =	stream.indirect_vreg.gather [hbm4b:s1+s5], $0x80, v3, vm1, $0xb8;
	[tilespmem:$0xC580] =	vst v63  }
0x5c: {  	_ = 	snop  }
0x5d: {  	[tilespmem:s2], [sflag:$0x2] =	stream.indirect_vreg.gather [hbm4b:s6+s5], $0x80, v3, vm1, $0xb8;
	[tilespmem:$0xC580] =	vst v63  }
0x5e: {  	_ = 	snop  }
0x5f: {  	[tilespmem:s3], [sflag:$0x2] =	stream.indirect_vreg.gather [hbm4b:s7+s5], $0x80, v3, vm1, $0xb8;
	[tilespmem:$0xC580] =	vst v63  }
0x60: {  	_ = 	snop  }
0x61: {  	[tilespmem:s14], [sflag:$0x2] =	stream.indirect_vreg.gather [hbm4b:s8+s5], $0x80, v3, vm1, $0xb8;
	[tilespmem:$0xC580] =	vst v63  }
0x62: {  	v3 =	vld @!p2 [tilespmem:s25+$0x0];
	_ =	sdelay $0x4  }
0x63: {  	v4 =	vshll.u32 @!p2 v3, $0x3  }
0x64: {  	v5 =	vlaneseq.u32 @!p2;
	v3 =	vand.u32 @!p2 $0x7, v3;
	v4 =	vand.u32 @!p2 $0xFFFFFFC0, v4  }
0x65: {  	v6 =	vshrl.u32 @!p2 v5, $0x3;
	v3 =	vor.u32 @!p2 v3, v4;
	v4 =	vand.u32 @!p2 $0x7, v5  }
0x66: {  	v6 =	vmul.u32 @!p2 $0x8, v6;
	v4 =	vperm.xlane @!p2 v3, v4;
	_ =	sdelay $0x1  }
0x67: {  	v4 =	vadd.s32 @!p2 v6, v4;
	_ =	sdelay $0x3  }
0x68: {  	s21 =	simm.s32 @!p2 $0x0;
	s22 =	simm.s32 @!p2 $0x8580  }
0x69: {  	v5 =	vor.u32 @!p2 $0x8, v5;
	[tilespmem:s22], [sflag:$0x3] =	stream.indirect_vreg.gather @!p2 [hbm4b:s1+s21], $0x80, v4, vm2, $0xb8;
	[tilespmem:$0xC580] =	vst v63  }
0x6a: {  	v3 =	vperm.xlane @!p2 v3, v5;
	s22 =	simm.s32 @!p2 $0x8D80  }
0x6b: {  	[tilespmem:s22], [sflag:$0x3] =	stream.indirect_vreg.gather @!p2 [hbm4b:s6+s21], $0x80, v4, vm2, $0xb8;
	[tilespmem:$0xC580] =	vst v63  }
0x6c: {  	v3 =	vadd.s32 @!p2 v6, v3;
	s22 =	simm.s32 @!p2 $0x9580  }
0x6d: {  	[tilespmem:s22], [sflag:$0x3] =	stream.indirect_vreg.gather @!p2 [hbm4b:s7+s21], $0x80, v4, vm2, $0xb8;
	[tilespmem:$0xC580] =	vst v63  }
0x6e: {  	s22 =	simm.s32 @!p2 $0x9D80  }
0x6f: {  	[tilespmem:s22], [sflag:$0x3] =	stream.indirect_vreg.gather @!p2 [hbm4b:s8+s21], $0x80, v4, vm2, $0xb8;
	[tilespmem:$0xC580] =	vst v63  }
0x70: {  	s22 =	simm.s32 @!p2 $0xA580  }
0x71: {  	[tilespmem:s22], [sflag:$0x3] =	stream.indirect_vreg.gather @!p2 [hbm4b:s1+s21], $0x80, v3, vm2, $0xb8;
	[tilespmem:$0xC580] =	vst v63  }
0x72: {  	s22 =	simm.s32 @!p2 $0xAD80  }
0x73: {  	[tilespmem:s22], [sflag:$0x3] =	stream.indirect_vreg.gather @!p2 [hbm4b:s6+s21], $0x80, v3, vm2, $0xb8;
	[tilespmem:$0xC580] =	vst v63  }
0x74: {  	s22 =	simm.s32 @!p2 $0xB580  }
0x75: {  	[tilespmem:s22], [sflag:$0x3] =	stream.indirect_vreg.gather @!p2 [hbm4b:s7+s21], $0x80, v3, vm2, $0xb8;
	[tilespmem:$0xC580] =	vst v63  }
0x76: {  	s22 =	simm.s32 @!p2 $0xBD80  }
0x77: {  	[tilespmem:s22], [sflag:$0x3] =	stream.indirect_vreg.gather @!p2 [hbm4b:s8+s21], $0x80, v3, vm2, $0xb8;
	[tilespmem:$0xC580] =	vst v63  }
0x78: {  	_ =	swait.ge [sflag:s15], $0x4000  }
0x79: {  	[sflag:s15] =	ssyncset.done $0x0  }
0x7a: {  	[sflag:s15] =	ssyncadd.s32 $0xFFFFC000  }
0x7b: {  	[hbm4b:s9+s5] =	stream.linear.scatter [tilespmem:s18], [sflag:$0x4], $0x4000, $0x38;
	[tilespmem:$0xC580] =	vst v63  }
0x7c: {  	_ =	swait.ge [sflag:s16], $0x4000  }
0x7d: {  	[sflag:s16] =	ssyncset.done $0x0  }
0x7e: {  	s21 =	simm.s32 @!p2 $0x3;
	[sflag:s16] =	ssyncadd.s32 $0xFFFFC000  }
0x7f: {  	[hbm4b:s10+s5] =	stream.linear.scatter [tilespmem:s29], [sflag:$0x5], $0x4000, $0x38;
	[tilespmem:$0xC580] =	vst v63  }
0x80: {  	_ =	swait.ge @!p2 [sflag:s21], $0x4000  }
0x81: {  	[sflag:s21] =	ssyncset.done @!p2 $0x0  }
0x82: {  	s22 =	simm.s32 @!p5 $0x8580;
	[sflag:s21] =	ssyncadd.s32 @!p2 $0xFFFFC000;
	s21 =	simm.s32 @!p5 $0x0  }
0x83: {  	[hbm4b:s11+s21] =	stream.linear.scatter @!p5 [tilespmem:s22], [sflag:$0x6], $0x200, $0x38;
	[tilespmem:$0xC580] =	vst v63  }
0x84: {  	s23 =	simm.s32 @!p5 $0x8980;
	s22 =	sadd.s32 @!p5 $0x80, s11  }
0x85: {  	[hbm4b:s22+s21] =	stream.linear.scatter @!p5 [tilespmem:s23], [sflag:$0x6], $0x200, $0x38;
	[tilespmem:$0xC580] =	vst v63  }
0x86: {  	s22 =	sadd.s32 @!p5 $0x100, s11;
	s23 =	simm.s32 @!p5 $0x8D80  }
0x87: {  	[hbm4b:s22+s21] =	stream.linear.scatter @!p5 [tilespmem:s23], [sflag:$0x6], $0x200, $0x38;
	[tilespmem:$0xC580] =	vst v63  }
0x88: {  	s22 =	sadd.s32 @!p5 $0x180, s11;
	s23 =	simm.s32 @!p5 $0x9180  }
0x89: {  	[hbm4b:s22+s21] =	stream.linear.scatter @!p5 [tilespmem:s23], [sflag:$0x6], $0x200, $0x38;
	[tilespmem:$0xC580] =	vst v63  }
0x8a: {  	s22 =	sadd.s32 @!p5 $0x200, s11;
	s23 =	simm.s32 @!p5 $0x9580  }
0x8b: {  	[hbm4b:s22+s21] =	stream.linear.scatter @!p5 [tilespmem:s23], [sflag:$0x6], $0x200, $0x38;
	[tilespmem:$0xC580] =	vst v63  }
0x8c: {  	s22 =	sadd.s32 @!p5 $0x280, s11;
	s23 =	simm.s32 @!p5 $0x9980  }
0x8d: {  	[hbm4b:s22+s21] =	stream.linear.scatter @!p5 [tilespmem:s23], [sflag:$0x6], $0x200, $0x38;
	[tilespmem:$0xC580] =	vst v63  }
0x8e: {  	s22 =	sadd.s32 @!p5 $0x300, s11;
	s23 =	simm.s32 @!p5 $0x9D80  }
0x8f: {  	[hbm4b:s22+s21] =	stream.linear.scatter @!p5 [tilespmem:s23], [sflag:$0x6], $0x200, $0x38;
	[tilespmem:$0xC580] =	vst v63  }
0x90: {  	s22 =	sadd.s32 @!p5 $0x380, s11;
	s23 =	simm.s32 @!p5 $0xA180  }
0x91: {  	[hbm4b:s22+s21] =	stream.linear.scatter @!p5 [tilespmem:s23], [sflag:$0x6], $0x200, $0x38;
	[tilespmem:$0xC580] =	vst v63  }
0x92: {  	s23 =	sld [smem:$0x7FB];
	_ =	sdelay $0x2  }
0x93: {  	p6 =	seq.s32 s23, $0x1  }
.Ltmp2:
0x94: {  	_ = 	snop;
	(pc) =	sbr.rel @!p6 .LBB2_3-.Ltmp2, $2  }
0x95: {  	s22 =	sld [smem:$0x7FC];
	_ =	sdelay $0x2  }
0x96: {  	p0 =	por @!p3 $0x0, $0x0;
	p1 =	seq.s32 s22, $0x1  }
.Ltmp3:
0x97: {  	(pc) =	sbr.rel .LBB2_3-.Ltmp3, $4  }
0x98: {  	s23 =	sld [smem:$0x7FD]  }
0x99: {  	s21 =	simm.s32 $0x8580  }
0x9a: {  	[hbm4b:s12+s5] =	stream.linear.scatter [tilespmem:s21], [sflag:$0x6], $0x4000, $0x38;
	[tilespmem:$0xC580] =	vst v63  }
0x9b: {  	p0 =	por p4, p4;
	p1 =	seq.s32 s23, $0x1  }
.LBB2_4:
0x9c: {  	_ =	sfence.sel $0x180000  }
0x9d: {  	[bflag:$0x0] =	sbarrier.arrive $0xFFFF  }
0x9e: {  	_ =	strace $0x90000047  }
0x9f: {  	s0 =	stileid.u32;
	[bflag:$0x2] =	sbarrier.arrive $0xFFFF  }
0xa0: {  	p0 =	sne.s32 s0, $0x0;
	s0 =	rddreg [dreg:$0x5]  }
0xa1: {  	s0 =	sadd.s32 @!p0 $0x100000, s0  }
0xa2: {  	[sflag:s0] =	ssyncadd.tile.s32 @!p0 $0x1;
	_ =	shalt  }
.Lfunc_end2:
_tile_overlayer_lowered:
.L_overlay_start_2:
0xa3: {  	(tag) =	ssettag $0x2  }
0xa4: {  	s0 =	rddreg [dreg:$0x0];
	s2 =	stileid.u32  }
0xa5: {  	s1 =	rddreg [dreg:$0x1];
	p0 =	sne.s32 s2, $0x0  }
0xa6: {  	s3 =	rddreg [dreg:$0x2];
	[bflag:$0x3] =	sbarrier.arrive $0xFFFF;
	s2 =	simm.s32 @!p0 $0x1C07  }
0xa7: {  	[timem:s3], [sflag:s2] =	dma.local @!p0 [hbm:s0], s1  }
0xa8: {  	s0 =	simm.s32 @!p0 $0x7  }
0xa9: {  	_ =	swait.ge @!p0 [sflag:s0], s1  }
0xaa: {  	s1 =	ssub.s32 @!p0 $0x0, s1;
	[sflag:s0] =	ssyncset.done @!p0 $0x0  }
0xab: {  	[sflag:s0] =	ssyncadd.s32 @!p0 s1  }
0xac: {  	[bflag:$0x3] =	sbarrier.arrive $0xFFFF  }
0xad: {  	_ =	shalt  }

</sc_bundles>
